<compile_context>
chip_gen: v7x
topology: tpu7x:2x2x1
jax: 0.10.2.dev20260603
libtpu: 0.0.44.dev20260713+nightly
codegen_flags: <defaults>
</compile_context>

<pallas_src>
import functools

import jax
import jax.numpy as jnp
from jax import lax
from jax.experimental import pallas as pl
from jax.experimental.pallas import tpu as pltpu
from jax.experimental.pallas import tpu_sc as plsc

N_CLS_CTX = 4
CTX_DIM = 512
CONTEXT_LEN = 77
PREFIX_LEN = 5
SUFFIX_LEN = CONTEXT_LEN - PREFIX_LEN - N_CLS_CTX
CTX_BEG = PREFIX_LEN
SUF_BEG = PREFIX_LEN + N_CLS_CTX


def _make_sc_gather(num_class: int, b: int, nc: int, b_per_w: int):
    @functools.partial(
        pl.kernel,
        mesh=plsc.VectorSubcoreMesh(core_axis_name="c", subcore_axis_name="s"),
        out_type=jax.ShapeDtypeStruct((b, N_CLS_CTX, CTX_DIM), jnp.float32),
        scratch_types=[
            pltpu.VMEM((b_per_w,), jnp.int32),
            pltpu.VMEM((b_per_w, N_CLS_CTX, CTX_DIM), jnp.float32),
            pltpu.SemaphoreType.DMA,
        ],
    )
    def gather(table_hbm, idx_hbm, out_hbm, idx_v, rows_v, sem):
        wid = lax.axis_index("s") * nc + lax.axis_index("c")
        base = wid * b_per_w
        pltpu.sync_copy(idx_hbm.at[pl.ds(base, b_per_w)], idx_v)
        pltpu.async_copy(table_hbm.at[idx_v], rows_v, sem).wait()
        pltpu.sync_copy(rows_v, out_hbm.at[pl.ds(base, b_per_w)])

    return gather


def _assemble_body(ctx_ref, pre_ref, suf_ref, out_ref):
    bb = out_ref.shape[1]
    out_ref[:PREFIX_LEN] = jnp.broadcast_to(
        pre_ref[...], (PREFIX_LEN, bb, CTX_DIM))
    out_ref[CTX_BEG:SUF_BEG] = jnp.transpose(ctx_ref[...], (1, 0, 2))
    out_ref[SUF_BEG:] = jnp.broadcast_to(
        suf_ref[...], (SUFFIX_LEN, bb, CTX_DIM))


def _make_tc_assemble(b: int, bb: int):
    return pl.pallas_call(
        _assemble_body,
        grid=(b // bb,),
        in_specs=[
            pl.BlockSpec((bb, N_CLS_CTX, CTX_DIM), lambda i: (i, 0, 0)),
            pl.BlockSpec((PREFIX_LEN, 1, CTX_DIM), lambda i: (0, 0, 0)),
            pl.BlockSpec((SUFFIX_LEN, 1, CTX_DIM), lambda i: (0, 0, 0)),
        ],
        out_specs=pl.BlockSpec((CONTEXT_LEN, bb, CTX_DIM), lambda i: (0, i, 0)),
        out_shape=jax.ShapeDtypeStruct((CONTEXT_LEN, b, CTX_DIM), jnp.float32),
    )


def kernel(label, cls_ctx, token_prefix, token_suffix):
    b = label.shape[0]
    num_class = cls_ctx.shape[0]
    info = plsc.get_sparse_core_info()
    nc, ns = info.num_cores, info.num_subcores
    nw = nc * ns
    assert b % nw == 0 and (b // nw) % 8 == 0
    b_per_w = b // nw
    idx = label.astype(jnp.int32)
    ctx = _make_sc_gather(num_class, b, nc, b_per_w)(cls_ctx, idx)
    pre_t = jnp.transpose(token_prefix, (1, 0, 2))
    suf_t = jnp.transpose(token_suffix, (1, 0, 2))
    out770 = _make_tc_assemble(b, 64)(ctx, pre_t, suf_t)
    return jnp.transpose(out770, (1, 0, 2))

# --- scband reference (transcript-rebuilt; emitter-appended) ---
"""Pipeline reference for scband-prompt-learner-65807488909745 (READ-ONLY COPY).

The authoritative reference and input builder live on the scoring server;
editing this copy changes nothing except your own understanding.
"""

import jax, jax.numpy as jnp
import numpy as np

NUM_CLASS = 100000
N_CTX = 4          # prompt_num
N_CLS_CTX = 4      # prompt_num
CTX_DIM = 512
CONTEXT_LEN = 77   # CLIP context length
B = 1024
PREFIX_LEN = N_CTX + 1                       # 5 (SOS + 'A photo of a' region per slicing)
SUFFIX_LEN = CONTEXT_LEN - (N_CTX + 1) - N_CLS_CTX  # 68


def setup_inputs(seed: int = 0) -> dict:
    key = jax.random.key(seed)
    k1, k2, k3, k4 = jax.random.split(key, 4)
    label = jax.random.randint(k1, (B,), 0, NUM_CLASS, dtype=jnp.int64 if jax.config.read('jax_enable_x64') else jnp.int32)
    # learned class-context vectors: nn.init.normal_(std=0.02)
    cls_ctx = jax.random.normal(k2, (NUM_CLASS, N_CLS_CTX, CTX_DIM), dtype=jnp.float32) * 0.02
    # frozen token embeddings of the tokenized prompt (buffers)
    token_prefix = jax.random.normal(k3, (1, PREFIX_LEN, CTX_DIM), dtype=jnp.float32)
    token_suffix = jax.random.normal(k4, (1, SUFFIX_LEN, CTX_DIM), dtype=jnp.float32)
    return {
        'label': label,
        'cls_ctx': cls_ctx,
        'token_prefix': token_prefix,
        'token_suffix': token_suffix,
    }


def reference(label, cls_ctx, token_prefix, token_suffix):
    # cls_ctx = self.cls_ctx[label]  -> gather rows of the class-context table
    ctx = jnp.take(cls_ctx, label, axis=0)            # [B, N_CLS_CTX, CTX_DIM]
    b = label.shape[0]
    prefix = jnp.broadcast_to(token_prefix, (b, token_prefix.shape[1], token_prefix.shape[2]))
    suffix = jnp.broadcast_to(token_suffix, (b, token_suffix.shape[1], token_suffix.shape[2]))
    prompts = jnp.concatenate([prefix, ctx, suffix], axis=1)  # [B, 77, CTX_DIM]
    return prompts

if __name__ == "__main__":
    import jax
    _d = setup_inputs()
    print(jax.jit(kernel)(*tuple(_d.values())))

</pallas_src>

<mosaic_0001>
#map = affine_map<(d0, d1) -> (0, 0, 0)>
#map1 = affine_map<(d0, d1) -> (0)>
module attributes {stable_mosaic.version = 14 : i64} {
  func.func @gather(%arg0: i32, %arg1: i32, %arg2: memref<100000x4x512xf32, #tpu.memory_space<hbm>>, %arg3: memref<1024xi32, #tpu.memory_space<hbm>>, %arg4: memref<1024x4x512xf32, #tpu.memory_space<hbm>>, %arg5: memref<32xi32, #tpu.memory_space<vmem>>, %arg6: memref<32x4x512xf32, #tpu.memory_space<vmem>>, %arg7: memref<!tpu.dma_semaphore, #tpu.memory_space<semaphore_mem>>) attributes {dimension_semantics = [#tpu.dimension_semantics<core_parallel>, #tpu.dimension_semantics<subcore_parallel>], iteration_bounds = array<i64: 2, 16>, scalar_prefetch = 0 : i64, scratch_operands = 3 : i64, tpu.core_type = #tpu.core_type<sc_vector_subcore>, window_params = [{transform_indices = #map}, {transform_indices = #map1}, {transform_indices = #map}]} {
    %mul3A = arith.constant 2 : i32
    %mul3A_0 = arith.muli %arg1, %mul3A : i32
    %add3A = arith.addi %mul3A_0, %arg0 : i32
    %mul3A_1 = arith.constant 32 : i32
    %mul3A_2 = arith.muli %add3A, %mul3A_1 : i32
    "tpu.region"() ({
      %run_scoped3A = tpu.sem_alloc : memref<!tpu.dma_semaphore, #tpu.memory_space<semaphore_mem>>
      %dma_start3A_9 = tpu.memref_slice %arg3[%mul3A_2] : memref<1024xi32, #tpu.memory_space<hbm>> -> memref<32xi32, #tpu.memory_space<hbm>>
      %dma_start3A_10 = tpu.memref_slice %arg3[%mul3A_2] : memref<1024xi32, #tpu.memory_space<hbm>> -> memref<32xi32, #tpu.memory_space<hbm>>
      tpu.enqueue_dma source(%dma_start3A_10 : memref<32xi32, #tpu.memory_space<hbm>>) target(%arg5 : memref<32xi32, #tpu.memory_space<vmem>>) target_semaphore(%run_scoped3A : memref<!tpu.dma_semaphore, #tpu.memory_space<semaphore_mem>>)
      %dma_wait3A_11 = tpu.memref_slice %arg3[%mul3A_2] : memref<1024xi32, #tpu.memory_space<hbm>> -> memref<32xi32, #tpu.memory_space<hbm>>
      %dma_wait3A_12 = tpu.memref_slice %arg3[%mul3A_2] : memref<1024xi32, #tpu.memory_space<hbm>> -> memref<32xi32, #tpu.memory_space<hbm>>
      tpu.wait_dma2 semaphore(%run_scoped3A : memref<!tpu.dma_semaphore, #tpu.memory_space<semaphore_mem>>) src(%dma_wait3A_12 : memref<32xi32, #tpu.memory_space<hbm>>) dst(%arg5 : memref<32xi32, #tpu.memory_space<vmem>>)
      tpu.yield
    }) : () -> ()
    %dma_start3A = arith.constant 0 : i32
    %dma_start3A_3 = arith.constant 0 : i32
    %dma_start3A_4 = arith.constant 0 : i32
    %dma_start3A_5 = tpu.memref_slice %arg2[%dma_start3A, %dma_start3A_3, %dma_start3A_4] : memref<100000x4x512xf32, #tpu.memory_space<hbm>> -> memref<100000x4x512xf32, #tpu.memory_space<hbm>>
    tpu.enqueue_indirect_dma source(%dma_start3A_5 : memref<100000x4x512xf32, #tpu.memory_space<hbm>>) target(%arg6 : memref<32x4x512xf32, #tpu.memory_space<vmem>>) offsets(%arg5 : memref<32xi32, #tpu.memory_space<vmem>>) semaphore(%arg7 : memref<!tpu.dma_semaphore, #tpu.memory_space<semaphore_mem>>)
    %dma_wait3A = arith.constant 0 : i32
    %dma_wait3A_6 = arith.constant 0 : i32
    %dma_wait3A_7 = arith.constant 0 : i32
    %dma_wait3A_8 = tpu.memref_slice %arg2[%dma_wait3A, %dma_wait3A_6, %dma_wait3A_7] : memref<100000x4x512xf32, #tpu.memory_space<hbm>> -> memref<100000x4x512xf32, #tpu.memory_space<hbm>>
    tpu.wait_indirect_dma semaphore(%arg7 : memref<!tpu.dma_semaphore, #tpu.memory_space<semaphore_mem>>) src(%dma_wait3A_8 : memref<100000x4x512xf32, #tpu.memory_space<hbm>>) dst(%arg6 : memref<32x4x512xf32, #tpu.memory_space<vmem>>)
    "tpu.region"() ({
      %run_scoped3A = tpu.sem_alloc : memref<!tpu.dma_semaphore, #tpu.memory_space<semaphore_mem>>
      %dma_start3A_9 = arith.constant 0 : i32
      %dma_start3A_10 = arith.constant 0 : i32
      %dma_start3A_11 = tpu.memref_slice %arg4[%mul3A_2, %dma_start3A_9, %dma_start3A_10] : memref<1024x4x512xf32, #tpu.memory_space<hbm>> -> memref<32x4x512xf32, #tpu.memory_space<hbm>>
      %dma_start3A_12 = arith.constant 0 : i32
      %dma_start3A_13 = arith.constant 0 : i32
      %dma_start3A_14 = tpu.memref_slice %arg4[%mul3A_2, %dma_start3A_12, %dma_start3A_13] : memref<1024x4x512xf32, #tpu.memory_space<hbm>> -> memref<32x4x512xf32, #tpu.memory_space<hbm>>
      tpu.enqueue_dma source(%arg6 : memref<32x4x512xf32, #tpu.memory_space<vmem>>) target(%dma_start3A_14 : memref<32x4x512xf32, #tpu.memory_space<hbm>>) target_semaphore(%run_scoped3A : memref<!tpu.dma_semaphore, #tpu.memory_space<semaphore_mem>>)
      %dma_wait3A_15 = arith.constant 0 : i32
      %dma_wait3A_16 = arith.constant 0 : i32
      %dma_wait3A_17 = tpu.memref_slice %arg4[%mul3A_2, %dma_wait3A_15, %dma_wait3A_16] : memref<1024x4x512xf32, #tpu.memory_space<hbm>> -> memref<32x4x512xf32, #tpu.memory_space<hbm>>
      %dma_wait3A_18 = arith.constant 0 : i32
      %dma_wait3A_19 = arith.constant 0 : i32
      %dma_wait3A_20 = tpu.memref_slice %arg4[%mul3A_2, %dma_wait3A_18, %dma_wait3A_19] : memref<1024x4x512xf32, #tpu.memory_space<hbm>> -> memref<32x4x512xf32, #tpu.memory_space<hbm>>
      tpu.wait_dma2 semaphore(%run_scoped3A : memref<!tpu.dma_semaphore, #tpu.memory_space<semaphore_mem>>) src(%arg6 : memref<32x4x512xf32, #tpu.memory_space<vmem>>) dst(%dma_wait3A_20 : memref<32x4x512xf32, #tpu.memory_space<hbm>>)
      tpu.yield
    }) : () -> ()
    return
  }
}

module attributes {stable_mosaic.version = 14 : i64} {
  func.func @_assemble_body(%arg0: i32, %arg1: memref<64x4x512xf32, #tpu.memory_space<vmem>>, %arg2: memref<5x1x512xf32, #tpu.memory_space<vmem>>, %arg3: memref<68x1x512xf32, #tpu.memory_space<vmem>>, %arg4: memref<77x64x512xf32, #tpu.memory_space<vmem>>) attributes {dimension_semantics = [#tpu.dimension_semantics<arbitrary>], iteration_bounds = array<i64: 16>, scalar_prefetch = 0 : i64, scratch_operands = 0 : i64, tpu.core_type = #tpu.core_type<tc>, window_params = [{transform_indices = @transform_0, window_bounds = array<i64: 64, 4, 512>}, {pipeline_mode = #tpu.pipeline_mode<synchronous>, transform_indices = @transform_1, window_bounds = array<i64: 5, 1, 512>}, {pipeline_mode = #tpu.pipeline_mode<synchronous>, transform_indices = @transform_2, window_bounds = array<i64: 68, 1, 512>}, {transform_indices = @transform_3, window_bounds = array<i64: 77, 64, 512>}]} {
    %get3A = arith.constant 0 : index
    %get3A_0 = arith.constant 0 : index
    %get3A_1 = arith.constant 0 : index
    %get3A_2 = vector.load %arg2[%get3A, %get3A_0, %get3A_1] : memref<5x1x512xf32, #tpu.memory_space<vmem>>, vector<5x1x512xf32>
    %broadcast_in_dim3A = vector.shape_cast %get3A_2 : vector<5x1x512xf32> to vector<5x1x512xf32>
    %broadcast_in_dim3A_3 = vector.broadcast %broadcast_in_dim3A : vector<5x1x512xf32> to vector<5x64x512xf32>
    %swap3A = arith.constant 0 : index
    %swap3A_4 = arith.constant 0 : index
    %swap3A_5 = arith.constant 0 : index
    %swap3A_6 = vector.load %arg4[%swap3A, %swap3A_4, %swap3A_5] : memref<77x64x512xf32, #tpu.memory_space<vmem>>, vector<5x64x512xf32>
    tpu.vector_store %arg4[%swap3A, %swap3A_4, %swap3A_5], %broadcast_in_dim3A_3 {strides = array<i32>} : memref<77x64x512xf32, #tpu.memory_space<vmem>>, vector<5x64x512xf32>,
    %get3A_7 = arith.constant 0 : index
    %get3A_8 = arith.constant 0 : index
    %get3A_9 = arith.constant 0 : index
    %get3A_10 = vector.load %arg1[%get3A_7, %get3A_8, %get3A_9] : memref<64x4x512xf32, #tpu.memory_space<vmem>>, vector<64x4x512xf32>
    %transpose3A = tpu.transpose %get3A_10, [1, 0, 2] : vector<64x4x512xf32> -> vector<4x64x512xf32>
    %swap3A_11 = arith.constant 5 : index
    %swap3A_12 = arith.constant 0 : index
    %swap3A_13 = arith.constant 0 : index
    %swap3A_14 = vector.load %arg4[%swap3A_11, %swap3A_12, %swap3A_13] : memref<77x64x512xf32, #tpu.memory_space<vmem>>, vector<4x64x512xf32>
    tpu.vector_store %arg4[%swap3A_11, %swap3A_12, %swap3A_13], %transpose3A {strides = array<i32>} : memref<77x64x512xf32, #tpu.memory_space<vmem>>, vector<4x64x512xf32>,
    %get3A_15 = arith.constant 0 : index
    %get3A_16 = arith.constant 0 : index
    %get3A_17 = arith.constant 0 : index
    %get3A_18 = vector.load %arg3[%get3A_15, %get3A_16, %get3A_17] : memref<68x1x512xf32, #tpu.memory_space<vmem>>, vector<68x1x512xf32>
    %broadcast_in_dim3A_19 = vector.shape_cast %get3A_18 : vector<68x1x512xf32> to vector<68x1x512xf32>
    %broadcast_in_dim3A_20 = vector.broadcast %broadcast_in_dim3A_19 : vector<68x1x512xf32> to vector<68x64x512xf32>
    %swap3A_21 = arith.constant 9 : index
    %swap3A_22 = arith.constant 0 : index
    %swap3A_23 = arith.constant 0 : index
    %swap3A_24 = vector.load %arg4[%swap3A_21, %swap3A_22, %swap3A_23] : memref<77x64x512xf32, #tpu.memory_space<vmem>>, vector<68x64x512xf32>
    tpu.vector_store %arg4[%swap3A_21, %swap3A_22, %swap3A_23], %broadcast_in_dim3A_20 {strides = array<i32>} : memref<77x64x512xf32, #tpu.memory_space<vmem>>, vector<68x64x512xf32>,
    return
  }
  func.func @transform_0(%arg0: i32) -> (i32, i32, i32) {
    %c0_i32 = arith.constant 0 : i32
    %c0_i32_0 = arith.constant 0 : i32
    %c0_i32_1 = arith.constant 0 : i32
    return %arg0, %c0_i32, %c0_i32_0 : i32, i32, i32
  }
  func.func @transform_1(%arg0: i32) -> (i32, i32, i32) {
    %c0_i32 = arith.constant 0 : i32
    %c0_i32_0 = arith.constant 0 : i32
    %c0_i32_1 = arith.constant 0 : i32
    %c0_i32_2 = arith.constant 0 : i32
    return %c0_i32, %c0_i32_0, %c0_i32_1 : i32, i32, i32
  }
  func.func @transform_2(%arg0: i32) -> (i32, i32, i32) {
    %c0_i32 = arith.constant 0 : i32
    %c0_i32_0 = arith.constant 0 : i32
    %c0_i32_1 = arith.constant 0 : i32
    %c0_i32_2 = arith.constant 0 : i32
    return %c0_i32, %c0_i32_0, %c0_i32_1 : i32, i32, i32
  }
  func.func @transform_3(%arg0: i32) -> (i32, i32, i32) {
    %c0_i32 = arith.constant 0 : i32
    %c0_i32_0 = arith.constant 0 : i32
    %c0_i32_1 = arith.constant 0 : i32
    return %c0_i32, %arg0, %c0_i32_0 : i32, i32, i32
  }
}

</mosaic_0001>

<sc_bundles>
// kernel: kernel.4.cloned.1.call-start
scs
__scs_entry_jumppad:
0x0: {  	(pc) =	sbr.rel $0x88, $3  }
0x1: {  	(tag) =	ssettag $0x0;
	lr =	simm.s32 $0x1  }
0x2: {  	[smem:$0x3F9D] =	sst lr;
	_ =	strace $0xD0000000  }
0x3: {  	_ = 	snop  }
0x4: {  	_ = 	snop  }
0x5: {  	_ = 	snop  }
0x6: {  	_ = 	snop  }
0x7: {  	_ = 	snop  }
__scs_overlays_trampoline_lowered:
0x8: {  	[smem:$0x3FAC] =	sst s0  }
0x9: {  	[smem:$0x3FAD] =	sst s1  }
0xa: {  	[smem:$0x3FAE] =	sst s2  }
0xb: {  	[smem:$0x3FAF] =	sst s3  }
0xc: {  	[smem:$0x3FB0] =	sst s4  }
0xd: {  	[smem:$0x3FB1] =	sst s5  }
0xe: {  	[smem:$0x3FB2] =	sst s6  }
0xf: {  	[smem:$0x3FB3] =	sst s7  }
0x10: {  	[smem:$0x3FB4] =	sst s8  }
0x11: {  	[smem:$0x3FB5] =	sst s9;
	s0 =	simm.s32 @!p0 $0x0  }
0x12: {  	s1 =	sld [smem:$0x3F9B];
	s0 =	simm.s32 @p0 $0x1  }
0x13: {  	[smem:$0x3FB6] =	sst s0;
	s0 =	simm.s32 @!p1 $0x0  }
0x14: {  	s2 =	sld [smem:$0x3F9A];
	s0 =	simm.s32 @p1 $0x1  }
0x15: {  	[smem:$0x3FB7] =	sst s0;
	s0 =	simm.s32 @!p2 $0x0  }
0x16: {  	s3 =	sld [smem:$0x3FDB];
	s0 =	simm.s32 @p2 $0x1  }
0x17: {  	s4 =	simm.s32 $0x1BF5;
	[smem:$0x3FB9] =	sst s0  }
0x18: {  	s0 =	sld [smem:$0x3F9C];
	_ =	swait.ge [sflag:s4], $0x0  }
0x19: {  	s7 =	sld [smem:$0x3F9D]  }
0x1a: {  	s8 =	sadd.s32 $0xFFFFE003, lr  }
0x1b: {  	s9 =	sadd.s32 $0xFFFFFEF7, lr;
	s5 =	simm.s32 $0xFFFFFFFF;
	p2 =	slt.u32 s8, $0xFFFFF086  }
0x1c: {  	p1 =	slt.u32 s9, $0xF7A;
	s5 =	simm.s32 @!p2 $0x0  }
0x1d: {  	s5 =	simm.s32 @p1 $0x1;
	p0 =	seq.s32 s7, s2  }
0x1e: {  	s7 =	smul.u32 @!p0 $0xF7A, s2;
	p2 =	seq.s32 @!p0 s5, $0x0  }
0x1f: {  	s9 =	smul.u32 $0xF7A, s1;
	s8 =	simm.s32 @!p0 $0x1BF5;
	p2 =	por !p2, p0  }
0x20: {  	[sflag:s8] =	ssyncset.s32 @!p0 $0xFFFFF086;
	s6 =	sadd.s32 @!p0 s3, s7;
	s7 =	simm.s32 @!p0 $0x108  }
0x21: {  	s3 =	sadd.s32 s3, s9;
	s6 =	sadd.s32 @!p0 $0x88, s6;
	s7 =	simm.s32 @p2 $0x1082  }
0x22: {  	[simem:s7], [sflag:s8] =	dma.local @!p0 [hbm:s6], $0xF7A  }
0x23: {  	s9 =	sor.u32 $0xD0000000, s2;
	s6 =	simm.s32 $0x108;
	_ =	swait.ge @!p0 [sflag:s8], $0x0  }
0x24: {  	s3 =	sadd.s32 $0x88, s3;
	s6 =	simm.s32 @!p1 $0x1082;
	[sflag:s4] =	ssyncset.s32 $0xFFFFF086  }
0x25: {  	[simem:s6], [sflag:s4] =	dma.local [hbm:s3], $0xF7A  }
0x26: {  	[smem:$0x3F9D] =	sst s1;
	(tag) =	ssettag s2;
	_ =	strace s9  }
0x27: {  	s1 =	sld [smem:$0x3FAD]  }
0x28: {  	s2 =	sld [smem:$0x3FAE]  }
0x29: {  	s4 =	sld [smem:$0x3FB0]  }
0x2a: {  	p0 =	seq.s32 s5, $0x0;
	s5 =	sld [smem:$0x3FB1]  }
0x2b: {  	s6 =	sld [smem:$0x3FB2]  }
0x2c: {  	s7 =	sld [smem:$0x3FB3]  }
0x2d: {  	s3 =	simm.s32 $0x108;
	s8 =	sld [smem:$0x3FB4]  }
0x2e: {  	s3 =	simm.s32 @!p0 $0x1082;
	s9 =	sld [smem:$0x3FB5]  }
0x2f: {  	lr =	sadd.s32 s0, s3;
	s0 =	sld [smem:$0x3FAC]  }
0x30: {  	s3 =	sld [smem:$0x3FAF]  }
0x31: {  	[smem:$0x3FB8] =	sst s10  }
0x32: {  	s10 =	sld [smem:$0x3FB6];
	_ =	sdelay $0x3  }
0x33: {  	p0 =	seq.s32 s10, $0x1;
	s10 =	sld [smem:$0x3FB8];
	_ =	sdelay $0x3  }
0x34: {  	[smem:$0x3FB8] =	sst s10  }
0x35: {  	s10 =	sld [smem:$0x3FB7];
	_ =	sdelay $0x3  }
0x36: {  	p1 =	seq.s32 s10, $0x1;
	s10 =	sld [smem:$0x3FB8];
	_ =	sdelay $0x3  }
0x37: {  	[smem:$0x3FB8] =	sst s10  }
0x38: {  	s10 =	sld [smem:$0x3FB9]  }
0x39: {  	_ = 	snop;
	(pc) =	sbr.ind lr, $3  }
0x3a: {  	_ = 	snop  }
0x3b: {  	_ = 	snop  }
0x3c: {  	p2 =	seq.s32 s10, $0x1;
	s10 =	sld [smem:$0x3FB8]  }
0x3d: {  	_ =	shalt  }
0x3e: {  	_ =	shalt  }
0x3f: {  	_ =	shalt  }
0x40: {  	_ =	shalt  }
0x41: {  	_ =	shalt  }
0x42: {  	_ =	shalt  }
0x43: {  	_ =	shalt  }
0x44: {  	_ =	shalt  }
0x45: {  	_ =	shalt  }
0x46: {  	_ =	shalt  }
0x47: {  	_ =	shalt  }
0x48: {  	_ =	shalt  }
0x49: {  	_ =	shalt  }
0x4a: {  	_ =	shalt  }
0x4b: {  	_ =	shalt  }
0x4c: {  	_ =	shalt  }
0x4d: {  	_ =	shalt  }
0x4e: {  	_ =	shalt  }
0x4f: {  	_ =	shalt  }
0x50: {  	_ =	shalt  }
0x51: {  	_ =	shalt  }
0x52: {  	_ =	shalt  }
0x53: {  	_ =	shalt  }
0x54: {  	_ =	shalt  }
0x55: {  	_ =	shalt  }
0x56: {  	_ =	shalt  }
0x57: {  	_ =	shalt  }
0x58: {  	_ =	shalt  }
0x59: {  	_ =	shalt  }
0x5a: {  	_ =	shalt  }
0x5b: {  	_ =	shalt  }
0x5c: {  	_ =	shalt  }
0x5d: {  	_ =	shalt  }
0x5e: {  	_ =	shalt  }
0x5f: {  	_ =	shalt  }
0x60: {  	_ =	shalt  }
0x61: {  	_ =	shalt  }
0x62: {  	_ =	shalt  }
0x63: {  	_ =	shalt  }
0x64: {  	_ =	shalt  }
0x65: {  	_ =	shalt  }
0x66: {  	_ =	shalt  }
0x67: {  	_ =	shalt  }
0x68: {  	_ =	shalt  }
0x69: {  	_ =	shalt  }
0x6a: {  	_ =	shalt  }
0x6b: {  	_ =	shalt  }
0x6c: {  	_ =	shalt  }
0x6d: {  	_ =	shalt  }
0x6e: {  	_ =	shalt  }
0x6f: {  	_ =	shalt  }
0x70: {  	_ =	shalt  }
0x71: {  	_ =	shalt  }
0x72: {  	_ =	shalt  }
0x73: {  	_ =	shalt  }
0x74: {  	_ =	shalt  }
0x75: {  	_ =	shalt  }
0x76: {  	_ =	shalt  }
0x77: {  	_ =	shalt  }
0x78: {  	_ =	shalt  }
0x79: {  	_ =	shalt  }
0x7a: {  	_ =	shalt  }
0x7b: {  	_ =	shalt  }
0x7c: {  	_ =	shalt  }
0x7d: {  	_ =	shalt  }
0x7e: {  	_ =	shalt  }
0x7f: {  	_ =	shalt  }
0x80: {  	_ =	shalt  }
0x81: {  	_ =	shalt  }
0x82: {  	_ =	shalt  }
0x83: {  	_ =	shalt  }
0x84: {  	_ =	shalt  }
0x85: {  	_ =	shalt  }
0x86: {  	_ =	shalt  }
0x87: {  	_ =	shalt  }
.Lfunc_end0:
.L_simem_size_0:
called_computation_lowered:
.L_overlay_start_0:
0x88: {  	s2 =	sld [smem:$0x3FD9]  }
0x89: {  	s3 =	sld [smem:$0x3FFE];
	_ =	sdelay $0x1  }
0x8a: {  	s1 =	srdreg.scid  }
0x8b: {  	s0 =	sand.u32 $0x1, s1  }
0x8c: {  	s18 =	sshll.u32 s0, $0xA;
	s2 =	sadd.s32 s3, s2  }
0x8d: {  	s2 =	sadd.s32 s2, s18  }
0x8e: {  	[smem:$0x3FC4] =	sst s2  }
0x8f: {  	_ = 	snop  }
0x90: {  	s2 =	sld [smem:$0x3FC9]  }
0x91: {  	s19 =	sld [smem:$0x3FC8]  }
0x92: {  	s4 =	sld [smem:$0x3FD0];
	(tm) =	ssettm $0x1  }
0x93: {  	s5 =	sld [smem:$0x3FFB];
	_ =	sdelay $0x3  }
0x94: {  	_ =	strace s5  }
0x95: {  	s5 =	sld [smem:$0x3FFC];
	_ =	sdelay $0x3  }
0x96: {  	_ =	strace s5  }
0x97: {  	s5 =	sld [smem:$0x3FFD];
	_ =	sdelay $0x3  }
0x98: {  	_ =	strace s5  }
0x99: {  	_ =	strace $0x8FFFFFFF  }
0x9a: {  	s20 =	sld [smem:$0x3FDB];
	_ =	sdelay $0x1  }
0x9b: {  	s6 =	simm.s32 $_scs_section_size  }
0x9c: {  	s7 =	simm.s32 $_size__tile_overlayer_lowered;
	s8 =	simm.s32 $_tile_overlayer_lowered  }
0x9d: {  	s23 =	simm.s32 $0x1BFF;
	s22 =	sshll.u32 s8, $0x1;
	s5 =	sadd.s32 s6, s20  }
0x9e: {  	s9 =	simm.s32 $0x0;
	s21 =	sshll.u32 s7, $0x1;
	s7 =	sadd.s32 s22, s5  }
0x9f: {  	[timem:s9], [sflag:s23] =	dma.local [hbm:s7], s21  }
0xa0: {  	_ =	swait.ge [sflag:s23], s21  }
0xa1: {  	s6 =	ssub.s32 $0x0, s21;
	[sflag:s23] =	ssyncset.done $0x0  }
0xa2: {  	[sflag:s23] =	ssyncadd.s32 s6;
	_ =	sdelay $0x1  }
0xa3: {  	s24 =	simm.s32 $0x1B8B  }
0xa4: {  	_ =	swait.ge [sflag:s24], $0x1  }
0xa5: {  	[sflag:s24] =	ssyncset.done $0x0  }
0xa6: {  	s25 =	simm.s32 $0x1B8E;
	[sflag:s24] =	ssyncadd.s32 $0xFFFFFFFF  }
0xa7: {  	s26 =	simm.s32 $execute0_lowered;
	[smem:$0x3FD2] =	sst s25  }
0xa8: {  	s6 =	sshll.u32 s26, $0x1;
	_ =	strace $0x80000046;
	[dreg:$0x1] =	wrdreg $0xFFFFFFFF  }
0xa9: {  	s28 =	simm.s32 $_size_execute0_lowered;
	s5 =	sadd.s32 s5, s6;
	[dreg:$0x0] =	wrdreg $0x0  }
0xaa: {  	s6 =	sshll.u32 s28, $0x1;
	[dreg:$0x2] =	wrdreg s5  }
0xab: {  	[dreg:$0x3] =	wrdreg s6  }
0xac: {  	[dreg:$0x4] =	wrdreg $0xC0  }
0xad: {  	_ =	task [dreg:s9], $0x5FFFF  }
0xae: {  	[dreg:$0x1] =	wrdreg $0xFFFFFFFF  }
0xaf: {  	[dreg:$0x0] =	wrdreg $0x60  }
0xb0: {  	[dreg:$0x2] =	wrdreg s19  }
0xb1: {  	[dreg:$0x3] =	wrdreg s2  }
0xb2: {  	[dreg:$0x4] =	wrdreg s4  }
0xb3: {  	[dreg:$0x5] =	wrdreg $0x9  }
0xb4: {  	_ =	task.clear_ibuf [dreg:s9], $0x6FFFF;
	_ =	strace $0x90000046  }
0xb5: {  	s29 =	simm.s32 $0x9;
	_ =	strace $0x80000048  }
0xb6: {  	_ =	swait.ge [sflag:s29], $0x1  }
0xb7: {  	[sflag:s29] =	ssyncadd.s32 $0xFFFFFFFF  }
0xb8: {  	_ =	strace $0x90000048  }
0xb9: {  	_ =	sfence  }
0xba: {  	s30 =	sld [smem:$0x0];
	_ =	sdelay $0x2  }
0xbb: {  	s31 =	sshll.u32 s1, $0xD;
	s1 =	sshrl.u32 s1, $0x2  }
0xbc: {  	s3 =	sand.u32 $0x4000, s31;
	s1 =	sadd.s32 s1, s30  }
0xbd: {  	s0 =	sor.u32 s3, s0;
	s1 =	sshll.u32 s1, $0x11  }
0xbe: {  	s0 =	sor.u32 s1, s0  }
0xbf: {  	s0 =	sadd.s32 $0x8F2B, s0  }
0xc0: {  	[sflag:s0] =	ssyncadd.remote.s32 $0x1  }
0xc1: {  	_ =	sfence.sel $0xFFFF  }
0xc2: {  	[dreg:$0x0] =	wrdreg $0xFFFFFFFF;
	(pc) =	sbr.abs _section_cstart, $3  }
0xc3: {  	[dreg:$0x1] =	wrdreg $0xFFFFFFFF  }
0xc4: {  	_ =	task.clear_ibuf [dreg:s9], $0x2FFFF;
	_ =	strace $0x9FFFFFFF  }
0xc5: {  	(tm) =	ssettm $0x7FFFFFFF  }
tec
execute0_lowered:
.L_overlay_start_1:
0x0: {  	(tag) =	ssettag $0x1  }
0x1: {  	s1 =	rddreg [dreg:$0x0]  }
0x2: {  	s4 =	rddreg [dreg:$0x1]  }
0x3: {  	s5 =	rddreg [dreg:$0x2];
	s3 =	srdreg.scid  }
0x4: {  	s0 =	rddreg [dreg:$0x3];
	s2 =	stileid.u32;
	s10 =	simm.s32 $0x1  }
0x5: {  	s6 =	sand.u32 $0x1, s3;
	s3 =	simm.s32 $0x0;
	s7 =	sshll.u32 s2, $0x6  }
0x6: {  	s8 =	sshll.u32 s6, $0x5;
	[smem:$0x7FF] =	sst s3;
	s6 =	ssub.s32 $0x2, s6  }
0x7: {  	s7 =	sor.u32 s8, s7;
	_ =	strace $0x80000047;
	s31 =	sshrl.u32 s6, $0x1  }
0x8: {  	s8 =	simm.s32 $0x80;
	s9 =	sshrl.u32 s7, $0x3;
	s7 =	sshll.u32 s7, $0x8  }
0x9: {  	s6 =	ssub.s32 s6, s31;
	s4 =	sadd.s32 s4, s9;
	s5 =	sadd.s32 s5, s7  }
0xa: {  	v0 =	vlaneseq.u32;
	vm0 =	vmmov $0xffff;
	s6 =	smax.u32 s6, $0x1;
	s7 =	simm.s32 $0x2;
	s9 =	simm.s32 $0x8080  }
.LBB2_1:
0xb: {  	[tilespmem:s3], [sflag:$0x2] =	stream.linear.gather [hbm4b:s4+s3], $0x20, $0x38;
	[tilespmem:$0x10080] =	vst v63  }
0xc: {  	_ =	swait.ge [sflag:s7], $0x20  }
0xd: {  	[sflag:s7] =	ssyncset.done $0x0  }
0xe: {  	[sflag:s7] =	ssyncadd.s32 $0xFFFFFFE0  }
0xf: {  	v1 =	vld [tilespmem:$0x0];
	_ =	sdelay $0x4  }
0x10: {  	v1 =	vshll.u32 v1, $0xB  }
0x11: {  	v1 =	vperm.xlane v1, v0;
	_ =	sdelay $0x5  }
0x12: {  	[tilespmem:s8], [sflag:$0x1] =	stream.indirect_vreg.gather [hbm4b:s1+s3], $0x800, v1, vm0, $0x38;
	[tilespmem:$0x10080] =	vst v63  }
0x13: {  	v1 =	vld [tilespmem:$0x10];
	_ =	sdelay $0x4  }
0x14: {  	v1 =	vshll.u32 v1, $0xB  }
0x15: {  	v1 =	vperm.xlane v1, v0;
	_ =	sdelay $0x5  }
0x16: {  	[tilespmem:s9], [sflag:$0x1] =	stream.indirect_vreg.gather [hbm4b:s1+s3], $0x800, v1, vm0, $0x38;
	[tilespmem:$0x10080] =	vst v63  }
0x17: {  	_ =	swait.ge [sflag:s10], $0x10000  }
0x18: {  	p0 =	sne.s32 s6, $0x1;
	[sflag:s10] =	ssyncset.done $0x0  }
.Ltmp0:
0x19: {  	[sflag:s10] =	ssyncadd.s32 $0xFFFF0000;
	(pc) =	sbr.rel @p0 .LBB2_1-.Ltmp0, $4  }
0x1a: {  	[hbm4b:s5+s3] =	stream.linear.scatter [tilespmem:s8], [sflag:$0x2], $0x10000, $0x38;
	[tilespmem:$0x10080] =	vst v63  }
0x1b: {  	_ =	swait.ge [sflag:s7], $0x10000  }
0x1c: {  	[sflag:s7] =	ssyncset.done $0x0  }
0x1d: {  	s6 =	sadd.s32 $0xFFFFFFFF, s6;
	[sflag:s7] =	ssyncadd.s32 $0xFFFF0000  }
0x1e: {  	_ =	sfence.sel $0x180000  }
0x1f: {  	[bflag:$0x0] =	sbarrier.arrive $0xFFFF  }
0x20: {  	p0 =	sne.s32 s2, $0x0;
	_ =	strace $0x90000047  }
0x21: {  	s0 =	sadd.s32 @!p0 $0x100000, s0;
	[bflag:$0x2] =	sbarrier.arrive $0xFFFF  }
0x22: {  	[sflag:s0] =	ssyncadd.tile.s32 @!p0 $0x1;
	_ =	shalt  }
.Lfunc_end2:
_tile_overlayer_lowered:
.L_overlay_start_2:
0x23: {  	(tag) =	ssettag $0x2  }
0x24: {  	s0 =	rddreg [dreg:$0x0];
	s2 =	stileid.u32  }
0x25: {  	s1 =	rddreg [dreg:$0x1];
	p0 =	sne.s32 s2, $0x0  }
0x26: {  	s3 =	rddreg [dreg:$0x2];
	[bflag:$0x3] =	sbarrier.arrive $0xFFFF;
	s2 =	simm.s32 @!p0 $0x1C02  }
0x27: {  	[timem:s3], [sflag:s2] =	dma.local @!p0 [hbm:s0], s1  }
0x28: {  	s0 =	simm.s32 @!p0 $0x2  }
0x29: {  	_ =	swait.ge @!p0 [sflag:s0], s1  }
0x2a: {  	s1 =	ssub.s32 @!p0 $0x0, s1;
	[sflag:s0] =	ssyncset.done @!p0 $0x0  }
0x2b: {  	[sflag:s0] =	ssyncadd.s32 @!p0 s1  }
0x2c: {  	[bflag:$0x3] =	sbarrier.arrive $0xFFFF  }
0x2d: {  	_ =	shalt  }

</sc_bundles>
